<compile_context>
chip_gen: v7x
topology: tpu7x:2x2x1
jax: 0.10.2.dev20260603
libtpu: 0.0.44.dev20260713+nightly
codegen_flags: <defaults>
</compile_context>

<pallas_src>
import dataclasses
import functools
import math

import jax
import jax.numpy as jnp
import numpy as np
from jax import lax
from jax.experimental import pallas as pl
from jax.experimental.pallas import tpu as pltpu
from jax.experimental.pallas import tpu_sc as plsc

_N = 200
_B = 1024
_M = _N * _N
_NW = 32
_BPW = _B // _NW

_KEY0 = 0x3F80
_NCELLS = 2560


def _build_tables():
    thr_list = []
    m = 1
    while True:
        t = math.exp(0.301 * m)
        if t > 1.5e6:
            break
        thr_list.append(math.ceil(t))
        m += 1
    thrs = np.array(thr_list, dtype=np.int64)

    def bucket(d):
        return int((d >= thrs).sum())

    blo = np.zeros(_NCELLS, dtype=np.int32)
    cthr = np.zeros(_NCELLS, dtype=np.int32)
    for k in range(_NCELLS):
        bits_lo = (_KEY0 + k) << 16
        bits_hi = ((_KEY0 + k + 1) << 16) - 1
        f_lo = np.int32(bits_lo).view(np.float32) if False else None
        f_lo = np.array(bits_lo, dtype=np.uint32).view(np.float32)
        f_hi = np.array(bits_hi, dtype=np.uint32).view(np.float32)
        d_lo = max(1, int(math.ceil(float(f_lo))))
        d_hi = int(math.floor(float(f_hi)))
        if d_hi < d_lo:
            d_hi = d_lo
        b_lo, b_hi = bucket(d_lo), bucket(d_hi)
        assert b_hi - b_lo <= 1, (k, b_lo, b_hi)
        blo[k] = b_lo
        if b_hi > b_lo:
            inside = thrs[(thrs > d_lo) & (thrs <= d_hi)]
            cthr[k] = int(inside[0])
        else:
            cthr[k] = 2**31 - 1
    return blo, cthr


_BLO_TAB, _THR_TAB = _build_tables()

_II_TAB = (np.arange(400) // _N).astype(np.int32)
_JJ_TAB = (np.arange(400) % _N).astype(np.int32)


def _sc_body(
    ts_hbm,
    ext_hbm,
    tsw_hbm,
    pos_hbm,
    blo_hbm,
    thr_hbm,
    ii_hbm,
    jj_hbm,
    out_hbm,
    ts_v,
    ext_v,
    tsw_v,
    pos_v,
    blo_v,
    thr_v,
    ii_v,
    jj_v,
    out_v,
    sem,
):
    wid = lax.axis_index("s") * 2 + lax.axis_index("c")
    base = wid * _BPW
    pltpu.sync_copy(pos_hbm, pos_v)
    pltpu.sync_copy(tsw_hbm, tsw_v)
    pltpu.sync_copy(blo_hbm, blo_v)
    pltpu.sync_copy(thr_hbm, thr_v)
    pltpu.sync_copy(ii_hbm, ii_v)
    pltpu.sync_copy(jj_hbm, jj_v)

    @pl.loop(0, _BPW, step=2)
    def _(t):
        for buf in (0, 1):
            b = base + t + buf

            @pl.when(t >= 2)
            def _():
                pltpu.make_async_copy(
                    out_v.at[buf], out_hbm.at[b], sem.at[buf]
                ).wait()

            pltpu.sync_copy(ts_hbm.at[b], ts_v)
            pltpu.sync_copy(ext_hbm.at[b], ext_v)

            @pl.loop(0, 25)
            def _(c):
                jj16 = jj_v[pl.ds(16 * c, 16)]
                ii16 = ii_v[pl.ds(16 * c, 16)]
                row = plsc.load_gather(ts_v, [jj16])

                @pl.loop(0, 100)
                def _(g):
                    col = plsc.load_gather(ext_v, [ii16 + 2 * g])
                    d = jnp.maximum(col - row, 1)
                    df = d.astype(jnp.float32)
                    key = (plsc.bitcast(df, jnp.int32) >> 16) - _KEY0
                    b0 = plsc.load_gather(blo_v, [key])
                    th = plsc.load_gather(thr_v, [key])
                    bk = b0 + jnp.where(d >= th, 1, 0)
                    tv = plsc.load_gather(tsw_v, [bk])
                    off = 400 * g + 16 * c
                    pos16 = pos_v[pl.ds(off, 16)]
                    out_v[buf, pl.ds(off, 16)] = tv + pos16

            pltpu.make_async_copy(
                out_v.at[buf], out_hbm.at[b], sem.at[buf]
            ).start()

    for buf in (0, 1):
        pltpu.make_async_copy(
            out_v.at[buf], out_hbm.at[base + _BPW - 2 + buf], sem.at[buf]
        ).wait()


@functools.partial(jax.jit, static_argnames=())
def kernel(all_timestamps, ts_w, pos_w):
    ts = all_timestamps.astype(jnp.int32)
    B, n = ts.shape
    ts_next = jnp.concatenate([ts[:, 1:], ts[:, n - 1 : n]], axis=1)
    ts_pad = jnp.pad(ts, ((0, 0), (0, 256 - n)))
    ext_pad = jnp.pad(ts_next, ((0, 0), (0, 256 - n)))
    tsw_pad = jnp.pad(ts_w, (0, 136 - ts_w.shape[0]))
    ii = jax.lax.broadcasted_iota(jnp.int32, (_M,), 0) // n
    jj = jax.lax.broadcasted_iota(jnp.int32, (_M,), 0) % n
    pos = jnp.take(pos_w, n - 1 + jj - ii, axis=0)

    mesh = plsc.VectorSubcoreMesh(core_axis_name="c", subcore_axis_name="s")
    cp = pltpu.CompilerParams()
    if "needs_layout_passes" in pltpu.CompilerParams.__dataclass_fields__:
        cp = dataclasses.replace(cp, needs_layout_passes=False)
    sck = pl.kernel(
        _sc_body,
        out_type=jax.ShapeDtypeStruct((B, _M), jnp.float32),
        mesh=mesh,
        compiler_params=cp,
        scratch_types=[
            pltpu.VMEM((256,), jnp.int32),
            pltpu.VMEM((256,), jnp.int32),
            pltpu.VMEM((136,), jnp.float32),
            pltpu.VMEM((_M,), jnp.float32),
            pltpu.VMEM((_NCELLS,), jnp.int32),
            pltpu.VMEM((_NCELLS,), jnp.int32),
            pltpu.VMEM((400,), jnp.int32),
            pltpu.VMEM((400,), jnp.int32),
            pltpu.VMEM((2, _M), jnp.float32),
            pltpu.SemaphoreType.DMA((2,)),
        ],
    )
    out = sck(
        ts_pad,
        ext_pad,
        tsw_pad,
        pos,
        jnp.asarray(_BLO_TAB),
        jnp.asarray(_THR_TAB),
        jnp.asarray(_II_TAB),
        jnp.asarray(_JJ_TAB),
    )
    return out.reshape(B, n, n)

# --- scband reference (transcript-rebuilt; emitter-appended) ---
"""Pipeline reference for scband-relative-bucketed-time-and-position-based-bias-33139967656423 (READ-ONLY COPY).

The authoritative reference and input builder live on the scoring server;
editing this copy changes nothing except your own understanding.
"""

import jax, jax.numpy as jnp
import numpy as np

B, N = 1024, 200
MAX_SEQ_LEN = 200
NUM_BUCKETS = 128


def setup_inputs(seed: int = 0) -> dict:
    key = jax.random.key(seed)
    k1, k2, k3 = jax.random.split(key, 3)
    all_timestamps = jnp.sort(jax.random.randint(k1, (B, N), 0, 1000000).astype(jnp.int64), axis=-1)
    ts_w = (jax.random.normal(k2, (NUM_BUCKETS + 1,), dtype=jnp.float32) * 0.02)
    pos_w = (jax.random.normal(k3, (2 * MAX_SEQ_LEN - 1,), dtype=jnp.float32) * 0.02)
    return {"all_timestamps": all_timestamps, "ts_w": ts_w, "pos_w": pos_w}


def _bucketize(x):
    # torch: (log(abs(x).clamp(min=1.0)) / 0.301).long(); values >= 0 so trunc == floor
    return jnp.floor(jnp.log(jnp.clip(jnp.abs(x), 1.0, None)) / 0.301).astype(jnp.int32)


def reference(all_timestamps, ts_w, pos_w):
    Bb, Nn = all_timestamps.shape
    n = min(Nn, MAX_SEQ_LEN)
    # position bias
    t = jnp.pad(pos_w[: 2 * n - 1], (0, n))
    t = jnp.tile(t, n)[: -n].reshape(1, n, 3 * n - 2)
    r = (2 * n - 1) // 2
    pos_bias = t[:, :, r:-r]  # (1, n, n)
    # time bias
    ext = jnp.concatenate([all_timestamps, all_timestamps[:, Nn - 1 : Nn]], axis=1)
    time_diffs = ext[:, 1:, None] - ext[:, None, :-1]  # (B, N, N) int64
    causal = jnp.tril(jnp.ones((Nn, Nn), dtype=bool))
    time_diffs = time_diffs.astype(jnp.float32) * causal[None, :, :].astype(jnp.float32)
    bucketed = jnp.clip(_bucketize(time_diffs), 0, NUM_BUCKETS)
    time_bias = jnp.take(ts_w, bucketed.reshape(-1), axis=0).reshape(Bb, Nn, Nn)
    return pos_bias + time_bias

if __name__ == "__main__":
    import jax
    _d = setup_inputs()
    print(jax.jit(kernel)(*tuple(_d.values())))

</pallas_src>

<mosaic_0001>
#map = affine_map<(d0, d1) -> (0, 0)>
#map1 = affine_map<(d0, d1) -> (0)>
module attributes {stable_mosaic.version = 14 : i64} {
  func.func @_sc_body(%arg0: i32, %arg1: i32, %arg2: memref<1024x256xi32, #tpu.memory_space<hbm>>, %arg3: memref<1024x256xi32, #tpu.memory_space<hbm>>, %arg4: memref<136xf32, #tpu.memory_space<hbm>>, %arg5: memref<40000xf32, #tpu.memory_space<hbm>>, %arg6: memref<2560xi32, #tpu.memory_space<hbm>>, %arg7: memref<2560xi32, #tpu.memory_space<hbm>>, %arg8: memref<400xi32, #tpu.memory_space<hbm>>, %arg9: memref<400xi32, #tpu.memory_space<hbm>>, %arg10: memref<1024x40000xf32, #tpu.memory_space<hbm>>, %arg11: memref<256xi32, #tpu.memory_space<vmem>>, %arg12: memref<256xi32, #tpu.memory_space<vmem>>, %arg13: memref<136xf32, #tpu.memory_space<vmem>>, %arg14: memref<40000xf32, #tpu.memory_space<vmem>>, %arg15: memref<2560xi32, #tpu.memory_space<vmem>>, %arg16: memref<2560xi32, #tpu.memory_space<vmem>>, %arg17: memref<400xi32, #tpu.memory_space<vmem>>, %arg18: memref<400xi32, #tpu.memory_space<vmem>>, %arg19: memref<2x40000xf32, #tpu.memory_space<vmem>>, %arg20: memref<2x!tpu.dma_semaphore, #tpu.memory_space<semaphore_mem>>) attributes {dimension_semantics = [#tpu.dimension_semantics<core_parallel>, #tpu.dimension_semantics<subcore_parallel>], iteration_bounds = array<i64: 2, 16>, scalar_prefetch = 0 : i64, scratch_operands = 10 : i64, tpu.core_type = #tpu.core_type<sc_vector_subcore>, window_params = [{transform_indices = #map}, {transform_indices = #map}, {transform_indices = #map1}, {transform_indices = #map1}, {transform_indices = #map1}, {transform_indices = #map1}, {transform_indices = #map1}, {transform_indices = #map1}, {transform_indices = #map}]} {
    %mul3A = arith.constant 2 : i32
    %mul3A_0 = arith.muli %arg1, %mul3A : i32
    %add3A = arith.addi %mul3A_0, %arg0 : i32
    %mul3A_1 = arith.constant 32 : i32
    %mul3A_2 = arith.muli %add3A, %mul3A_1 : i32
    "tpu.region"() ({
      %run_scoped3A = tpu.sem_alloc : memref<!tpu.dma_semaphore, #tpu.memory_space<semaphore_mem>>
      tpu.enqueue_dma source(%arg5 : memref<40000xf32, #tpu.memory_space<hbm>>) target(%arg14 : memref<40000xf32, #tpu.memory_space<vmem>>) target_semaphore(%run_scoped3A : memref<!tpu.dma_semaphore, #tpu.memory_space<semaphore_mem>>)
      tpu.wait_dma2 semaphore(%run_scoped3A : memref<!tpu.dma_semaphore, #tpu.memory_space<semaphore_mem>>) src(%arg5 : memref<40000xf32, #tpu.memory_space<hbm>>) dst(%arg14 : memref<40000xf32, #tpu.memory_space<vmem>>)
      tpu.yield
    }) : () -> ()
    "tpu.region"() ({
      %run_scoped3A = tpu.sem_alloc : memref<!tpu.dma_semaphore, #tpu.memory_space<semaphore_mem>>
      tpu.enqueue_dma source(%arg4 : memref<136xf32, #tpu.memory_space<hbm>>) target(%arg13 : memref<136xf32, #tpu.memory_space<vmem>>) target_semaphore(%run_scoped3A : memref<!tpu.dma_semaphore, #tpu.memory_space<semaphore_mem>>)
      tpu.wait_dma2 semaphore(%run_scoped3A : memref<!tpu.dma_semaphore, #tpu.memory_space<semaphore_mem>>) src(%arg4 : memref<136xf32, #tpu.memory_space<hbm>>) dst(%arg13 : memref<136xf32, #tpu.memory_space<vmem>>)
      tpu.yield
    }) : () -> ()
    "tpu.region"() ({
      %run_scoped3A = tpu.sem_alloc : memref<!tpu.dma_semaphore, #tpu.memory_space<semaphore_mem>>
      tpu.enqueue_dma source(%arg6 : memref<2560xi32, #tpu.memory_space<hbm>>) target(%arg15 : memref<2560xi32, #tpu.memory_space<vmem>>) target_semaphore(%run_scoped3A : memref<!tpu.dma_semaphore, #tpu.memory_space<semaphore_mem>>)
      tpu.wait_dma2 semaphore(%run_scoped3A : memref<!tpu.dma_semaphore, #tpu.memory_space<semaphore_mem>>) src(%arg6 : memref<2560xi32, #tpu.memory_space<hbm>>) dst(%arg15 : memref<2560xi32, #tpu.memory_space<vmem>>)
      tpu.yield
    }) : () -> ()
    "tpu.region"() ({
      %run_scoped3A = tpu.sem_alloc : memref<!tpu.dma_semaphore, #tpu.memory_space<semaphore_mem>>
      tpu.enqueue_dma source(%arg7 : memref<2560xi32, #tpu.memory_space<hbm>>) target(%arg16 : memref<2560xi32, #tpu.memory_space<vmem>>) target_semaphore(%run_scoped3A : memref<!tpu.dma_semaphore, #tpu.memory_space<semaphore_mem>>)
      tpu.wait_dma2 semaphore(%run_scoped3A : memref<!tpu.dma_semaphore, #tpu.memory_space<semaphore_mem>>) src(%arg7 : memref<2560xi32, #tpu.memory_space<hbm>>) dst(%arg16 : memref<2560xi32, #tpu.memory_space<vmem>>)
      tpu.yield
    }) : () -> ()
    "tpu.region"() ({
      %run_scoped3A = tpu.sem_alloc : memref<!tpu.dma_semaphore, #tpu.memory_space<semaphore_mem>>
      tpu.enqueue_dma source(%arg8 : memref<400xi32, #tpu.memory_space<hbm>>) target(%arg17 : memref<400xi32, #tpu.memory_space<vmem>>) target_semaphore(%run_scoped3A : memref<!tpu.dma_semaphore, #tpu.memory_space<semaphore_mem>>)
      tpu.wait_dma2 semaphore(%run_scoped3A : memref<!tpu.dma_semaphore, #tpu.memory_space<semaphore_mem>>) src(%arg8 : memref<400xi32, #tpu.memory_space<hbm>>) dst(%arg17 : memref<400xi32, #tpu.memory_space<vmem>>)
      tpu.yield
    }) : () -> ()
    "tpu.region"() ({
      %run_scoped3A = tpu.sem_alloc : memref<!tpu.dma_semaphore, #tpu.memory_space<semaphore_mem>>
      tpu.enqueue_dma source(%arg9 : memref<400xi32, #tpu.memory_space<hbm>>) target(%arg18 : memref<400xi32, #tpu.memory_space<vmem>>) target_semaphore(%run_scoped3A : memref<!tpu.dma_semaphore, #tpu.memory_space<semaphore_mem>>)
      tpu.wait_dma2 semaphore(%run_scoped3A : memref<!tpu.dma_semaphore, #tpu.memory_space<semaphore_mem>>) src(%arg9 : memref<400xi32, #tpu.memory_space<hbm>>) dst(%arg18 : memref<400xi32, #tpu.memory_space<vmem>>)
      tpu.yield
    }) : () -> ()
    %scan3A = arith.constant 0 : i32
    %scan3A_3 = arith.constant 16 : i32
    %scan3A_4 = arith.addi %scan3A, %scan3A_3 : i32
    %scan3A_5 = arith.constant 1 : i32
    scf.for %scan3A_49 = %scan3A to %scan3A_4 step %scan3A_5  : i32 {
      %mul3A_50 = arith.constant 2 : i32
      %mul3A_51 = arith.muli %scan3A_49, %mul3A_50 : i32
      %add3A_52 = arith.constant 0 : i32
      %add3A_53 = arith.addi %add3A_52, %mul3A_51 : i32
      %add3A_54 = arith.addi %mul3A_2, %add3A_53 : i32
      %add3A_55 = arith.constant 0 : i32
      %add3A_56 = arith.addi %add3A_54, %add3A_55 : i32
      %ge3A = arith.constant 2 : i32
      %ge3A_57 = arith.cmpi sge, %add3A_53, %ge3A : i32
      %convert_element_type3A = arith.extui %ge3A_57 : i1 to i32
      %cond3A = arith.constant 0 : i32
      %cond3A_58 = arith.cmpi ne, %convert_element_type3A, %cond3A : i32
      scf.if %cond3A_58 {
        %dma_wait3A_108 = arith.constant 0 : i32
        %dma_wait3A_109 = arith.constant 0 : i32
        %dma_wait3A_110 = arith.constant 0 : i32
        %dma_wait3A_111 = tpu.memref_slice %arg19[%dma_wait3A_108, %dma_wait3A_110] : memref<2x40000xf32, #tpu.memory_space<vmem>> -> memref<1x40000xf32, #tpu.memory_space<vmem>>
        %dma_wait3A_112 = tpu.memref_squeeze %dma_wait3A_111 : memref<1x40000xf32, #tpu.memory_space<vmem>> -> memref<40000xf32, #tpu.memory_space<vmem>>
        %dma_wait3A_113 = arith.constant 0 : i32
        %dma_wait3A_114 = tpu.memref_slice %arg10[%add3A_56, %dma_wait3A_113] : memref<1024x40000xf32, #tpu.memory_space<hbm>> -> memref<1x40000xf32, #tpu.memory_space<hbm>>
        %dma_wait3A_115 = tpu.memref_squeeze %dma_wait3A_114 : memref<1x40000xf32, #tpu.memory_space<hbm>> -> memref<40000xf32, #tpu.memory_space<hbm>>
        %dma_wait3A_116 = tpu.memref_slice %arg20[%dma_wait3A_109] : memref<2x!tpu.dma_semaphore, #tpu.memory_space<semaphore_mem>> -> memref<1x!tpu.dma_semaphore, #tpu.memory_space<semaphore_mem>>
        %dma_wait3A_117 = tpu.memref_squeeze %dma_wait3A_116 : memref<1x!tpu.dma_semaphore, #tpu.memory_space<semaphore_mem>> -> memref<!tpu.dma_semaphore, #tpu.memory_space<semaphore_mem>>
        %dma_wait3A_118 = arith.constant 0 : i32
        %dma_wait3A_119 = tpu.memref_slice %arg10[%add3A_56, %dma_wait3A_118] : memref<1024x40000xf32, #tpu.memory_space<hbm>> -> memref<1x40000xf32, #tpu.memory_space<hbm>>
        %dma_wait3A_120 = tpu.memref_squeeze %dma_wait3A_119 : memref<1x40000xf32, #tpu.memory_space<hbm>> -> memref<40000xf32, #tpu.memory_space<hbm>>
        %dma_wait3A_121 = arith.constant 0 : i32
        %dma_wait3A_122 = tpu.memref_slice %arg19[%dma_wait3A_108, %dma_wait3A_121] : memref<2x40000xf32, #tpu.memory_space<vmem>> -> memref<1x40000xf32, #tpu.memory_space<vmem>>
        %dma_wait3A_123 = tpu.memref_squeeze %dma_wait3A_122 : memref<1x40000xf32, #tpu.memory_space<vmem>> -> memref<40000xf32, #tpu.memory_space<vmem>>
        tpu.wait_dma2 semaphore(%dma_wait3A_117 : memref<!tpu.dma_semaphore, #tpu.memory_space<semaphore_mem>>) src(%dma_wait3A_123 : memref<40000xf32, #tpu.memory_space<vmem>>) dst(%dma_wait3A_120 : memref<40000xf32, #tpu.memory_space<hbm>>)
      } else {
      }
      "tpu.region"() ({
        %run_scoped3A = tpu.sem_alloc : memref<!tpu.dma_semaphore, #tpu.memory_space<semaphore_mem>>
        %dma_start3A_108 = arith.constant 0 : i32
        %dma_start3A_109 = tpu.memref_slice %arg2[%add3A_56, %dma_start3A_108] : memref<1024x256xi32, #tpu.memory_space<hbm>> -> memref<1x256xi32, #tpu.memory_space<hbm>>
        %dma_start3A_110 = tpu.memref_squeeze %dma_start3A_109 : memref<1x256xi32, #tpu.memory_space<hbm>> -> memref<256xi32, #tpu.memory_space<hbm>>
        %dma_start3A_111 = arith.constant 0 : i32
        %dma_start3A_112 = tpu.memref_slice %arg2[%add3A_56, %dma_start3A_111] : memref<1024x256xi32, #tpu.memory_space<hbm>> -> memref<1x256xi32, #tpu.memory_space<hbm>>
        %dma_start3A_113 = tpu.memref_squeeze %dma_start3A_112 : memref<1x256xi32, #tpu.memory_space<hbm>> -> memref<256xi32, #tpu.memory_space<hbm>>
        tpu.enqueue_dma source(%dma_start3A_113 : memref<256xi32, #tpu.memory_space<hbm>>) target(%arg11 : memref<256xi32, #tpu.memory_space<vmem>>) target_semaphore(%run_scoped3A : memref<!tpu.dma_semaphore, #tpu.memory_space<semaphore_mem>>)
        %dma_wait3A_114 = arith.constant 0 : i32
        %dma_wait3A_115 = tpu.memref_slice %arg2[%add3A_56, %dma_wait3A_114] : memref<1024x256xi32, #tpu.memory_space<hbm>> -> memref<1x256xi32, #tpu.memory_space<hbm>>
        %dma_wait3A_116 = tpu.memref_squeeze %dma_wait3A_115 : memref<1x256xi32, #tpu.memory_space<hbm>> -> memref<256xi32, #tpu.memory_space<hbm>>
        %dma_wait3A_117 = arith.constant 0 : i32
        %dma_wait3A_118 = tpu.memref_slice %arg2[%add3A_56, %dma_wait3A_117] : memref<1024x256xi32, #tpu.memory_space<hbm>> -> memref<1x256xi32, #tpu.memory_space<hbm>>
        %dma_wait3A_119 = tpu.memref_squeeze %dma_wait3A_118 : memref<1x256xi32, #tpu.memory_space<hbm>> -> memref<256xi32, #tpu.memory_space<hbm>>
        tpu.wait_dma2 semaphore(%run_scoped3A : memref<!tpu.dma_semaphore, #tpu.memory_space<semaphore_mem>>) src(%dma_wait3A_119 : memref<256xi32, #tpu.memory_space<hbm>>) dst(%arg11 : memref<256xi32, #tpu.memory_space<vmem>>)
        tpu.yield
      }) : () -> ()
      "tpu.region"() ({
        %run_scoped3A = tpu.sem_alloc : memref<!tpu.dma_semaphore, #tpu.memory_space<semaphore_mem>>
        %dma_start3A_108 = arith.constant 0 : i32
        %dma_start3A_109 = tpu.memref_slice %arg3[%add3A_56, %dma_start3A_108] : memref<1024x256xi32, #tpu.memory_space<hbm>> -> memref<1x256xi32, #tpu.memory_space<hbm>>
        %dma_start3A_110 = tpu.memref_squeeze %dma_start3A_109 : memref<1x256xi32, #tpu.memory_space<hbm>> -> memref<256xi32, #tpu.memory_space<hbm>>
        %dma_start3A_111 = arith.constant 0 : i32
        %dma_start3A_112 = tpu.memref_slice %arg3[%add3A_56, %dma_start3A_111] : memref<1024x256xi32, #tpu.memory_space<hbm>> -> memref<1x256xi32, #tpu.memory_space<hbm>>
        %dma_start3A_113 = tpu.memref_squeeze %dma_start3A_112 : memref<1x256xi32, #tpu.memory_space<hbm>> -> memref<256xi32, #tpu.memory_space<hbm>>
        tpu.enqueue_dma source(%dma_start3A_113 : memref<256xi32, #tpu.memory_space<hbm>>) target(%arg12 : memref<256xi32, #tpu.memory_space<vmem>>) target_semaphore(%run_scoped3A : memref<!tpu.dma_semaphore, #tpu.memory_space<semaphore_mem>>)
        %dma_wait3A_114 = arith.constant 0 : i32
        %dma_wait3A_115 = tpu.memref_slice %arg3[%add3A_56, %dma_wait3A_114] : memref<1024x256xi32, #tpu.memory_space<hbm>> -> memref<1x256xi32, #tpu.memory_space<hbm>>
        %dma_wait3A_116 = tpu.memref_squeeze %dma_wait3A_115 : memref<1x256xi32, #tpu.memory_space<hbm>> -> memref<256xi32, #tpu.memory_space<hbm>>
        %dma_wait3A_117 = arith.constant 0 : i32
        %dma_wait3A_118 = tpu.memref_slice %arg3[%add3A_56, %dma_wait3A_117] : memref<1024x256xi32, #tpu.memory_space<hbm>> -> memref<1x256xi32, #tpu.memory_space<hbm>>
        %dma_wait3A_119 = tpu.memref_squeeze %dma_wait3A_118 : memref<1x256xi32, #tpu.memory_space<hbm>> -> memref<256xi32, #tpu.memory_space<hbm>>
        tpu.wait_dma2 semaphore(%run_scoped3A : memref<!tpu.dma_semaphore, #tpu.memory_space<semaphore_mem>>) src(%dma_wait3A_119 : memref<256xi32, #tpu.memory_space<hbm>>) dst(%arg12 : memref<256xi32, #tpu.memory_space<vmem>>)
        tpu.yield
      }) : () -> ()
      %scan3A_59 = arith.constant 0 : i32
      %scan3A_60 = arith.constant 25 : i32
      %scan3A_61 = arith.addi %scan3A_59, %scan3A_60 : i32
      %scan3A_62 = arith.constant 1 : i32
      scf.for %scan3A_108 = %scan3A_59 to %scan3A_61 step %scan3A_62  : i32 {
        %mul3A_109 = arith.constant 1 : i32
        %mul3A_110 = arith.muli %scan3A_108, %mul3A_109 : i32
        %add3A_111 = arith.constant 0 : i32
        %add3A_112 = arith.addi %add3A_111, %mul3A_110 : i32
        %mul3A_113 = arith.constant 16 : i32
        %mul3A_114 = arith.muli %mul3A_113, %add3A_112 : i32
        %get3A = arith.index_cast %mul3A_114 : i32 to index
        %get3A_115 = tpu.vector_load %arg18[%get3A] {strides = array<i32>} : memref<400xi32, #tpu.memory_space<vmem>>, vector<16xi32>,
        %mul3A_116 = arith.constant 16 : i32
        %mul3A_117 = arith.muli %mul3A_116, %add3A_112 : i32
        %get3A_118 = arith.index_cast %mul3A_117 : i32 to index
        %get3A_119 = tpu.vector_load %arg17[%get3A_118] {strides = array<i32>} : memref<400xi32, #tpu.memory_space<vmem>>, vector<16xi32>,
        %gather3A = tpu.vector_load_idx %arg11[%get3A_115] : memref<256xi32, #tpu.memory_space<vmem>>[vector<16xi32>], vector<16xi32>,
        %scan3A_120 = arith.constant 0 : i32
        %scan3A_121 = arith.constant 100 : i32
        %scan3A_122 = arith.addi %scan3A_120, %scan3A_121 : i32
        %scan3A_123 = arith.constant 1 : i32
        scf.for %scan3A_125 = %scan3A_120 to %scan3A_122 step %scan3A_123  : i32 {
          %mul3A_126 = arith.constant 1 : i32
          %mul3A_127 = arith.muli %scan3A_125, %mul3A_126 : i32
          %add3A_128 = arith.constant 0 : i32
          %add3A_129 = arith.addi %add3A_128, %mul3A_127 : i32
          %mul3A_130 = arith.constant 2 : i32
          %mul3A_131 = arith.muli %mul3A_130, %add3A_129 : i32
          %add3A_132 = vector.broadcast %mul3A_131 : i32 to vector<16xi32>
          %add3A_133 = arith.addi %get3A_119, %add3A_132 : vector<16xi32>
          %gather3A_134 = tpu.vector_load_idx %arg12[%add3A_133] : memref<256xi32, #tpu.memory_space<vmem>>[vector<16xi32>], vector<16xi32>,
          %sub3A_135 = arith.subi %gather3A_134, %gather3A : vector<16xi32>
          %max3A = arith.constant 1 : i32
          %max3A_136 = vector.broadcast %max3A : i32 to vector<16xi32>
          %max3A_137 = arith.maxsi %sub3A_135, %max3A_136 : vector<16xi32>
          %convert_element_type3A_138 = arith.sitofp %max3A_137 : vector<16xi32> to vector<16xf32>
          %bitcast3A = vector.bitcast %convert_element_type3A_138 : vector<16xf32> to vector<16xi32>
          %shift_right_arithmetic3A = arith.constant 16 : i32
          %shift_right_arithmetic3A_139 = vector.broadcast %shift_right_arithmetic3A : i32 to vector<16xi32>
          %shift_right_arithmetic3A_140 = arith.shrsi %bitcast3A, %shift_right_arithmetic3A_139 : vector<16xi32>
          %sub3A_141 = arith.constant 16256 : i32
          %sub3A_142 = vector.broadcast %sub3A_141 : i32 to vector<16xi32>
          %sub3A_143 = arith.subi %shift_right_arithmetic3A_140, %sub3A_142 : vector<16xi32>
          %gather3A_144 = tpu.vector_load_idx %arg15[%sub3A_143] : memref<2560xi32, #tpu.memory_space<vmem>>[vector<16xi32>], vector<16xi32>,
          %gather3A_145 = tpu.vector_load_idx %arg16[%sub3A_143] : memref<2560xi32, #tpu.memory_space<vmem>>[vector<16xi32>], vector<16xi32>,
          %ge3A_146 = arith.cmpi sge, %max3A_137, %gather3A_145 : vector<16xi32>
          %jit3A = arith.constant 1 : i32
          %jit3A_147 = arith.constant 0 : i32
          %broadcast_in_dim3A = vector.broadcast %jit3A : i32 to vector<16xi32>
          %broadcast_in_dim3A_148 = vector.broadcast %jit3A_147 : i32 to vector<16xi32>
          %select_n3A = arith.select %ge3A_146, %broadcast_in_dim3A, %broadcast_in_dim3A_148 : vector<16xi1>, vector<16xi32>
          %add3A_149 = arith.addi %gather3A_144, %select_n3A : vector<16xi32>
          %gather3A_150 = tpu.vector_load_idx %arg13[%add3A_149] : memref<136xf32, #tpu.memory_space<vmem>>[vector<16xi32>], vector<16xf32>,
          %mul3A_151 = arith.constant 400 : i32
          %mul3A_152 = arith.muli %mul3A_151, %add3A_129 : i32
          %mul3A_153 = arith.constant 16 : i32
          %mul3A_154 = arith.muli %mul3A_153, %add3A_112 : i32
          %add3A_155 = arith.addi %mul3A_152, %mul3A_154 : i32
          %get3A_156 = arith.index_cast %add3A_155 : i32 to index
          %get3A_157 = tpu.vector_load %arg14[%get3A_156] {strides = array<i32>} : memref<40000xf32, #tpu.memory_space<vmem>>, vector<16xf32>,
          %add3A_158 = arith.addf %gather3A_150, %get3A_157 : vector<16xf32>
          %swap3A = arith.constant 0 : i32
          %swap3A_159 = arith.index_cast %swap3A : i32 to index
          %swap3A_160 = arith.index_cast %add3A_155 : i32 to index
          %swap3A_161 = tpu.vector_load %arg19[%swap3A_159, %swap3A_160] {strides = array<i32>} : memref<2x40000xf32, #tpu.memory_space<vmem>>, vector<16xf32>,
          tpu.vector_store %arg19[%swap3A_159, %swap3A_160], %add3A_158 {strides = array<i32>} : memref<2x40000xf32, #tpu.memory_space<vmem>>, vector<16xf32>,
        }
        %scan3A_124 = arith.constant 100 : i32
      }
      %scan3A_63 = arith.constant 25 : i32
      %dma_start3A = arith.constant 0 : i32
      %dma_start3A_64 = arith.constant 0 : i32
      %dma_start3A_65 = arith.constant 0 : i32
      %dma_start3A_66 = tpu.memref_slice %arg19[%dma_start3A, %dma_start3A_65] : memref<2x40000xf32, #tpu.memory_space<vmem>> -> memref<1x40000xf32, #tpu.memory_space<vmem>>
      %dma_start3A_67 = tpu.memref_squeeze %dma_start3A_66 : memref<1x40000xf32, #tpu.memory_space<vmem>> -> memref<40000xf32, #tpu.memory_space<vmem>>
      %dma_start3A_68 = arith.constant 0 : i32
      %dma_start3A_69 = tpu.memref_slice %arg10[%add3A_56, %dma_start3A_68] : memref<1024x40000xf32, #tpu.memory_space<hbm>> -> memref<1x40000xf32, #tpu.memory_space<hbm>>
      %dma_start3A_70 = tpu.memref_squeeze %dma_start3A_69 : memref<1x40000xf32, #tpu.memory_space<hbm>> -> memref<40000xf32, #tpu.memory_space<hbm>>
      %dma_start3A_71 = tpu.memref_slice %arg20[%dma_start3A_64] : memref<2x!tpu.dma_semaphore, #tpu.memory_space<semaphore_mem>> -> memref<1x!tpu.dma_semaphore, #tpu.memory_space<semaphore_mem>>
      %dma_start3A_72 = tpu.memref_squeeze %dma_start3A_71 : memref<1x!tpu.dma_semaphore, #tpu.memory_space<semaphore_mem>> -> memref<!tpu.dma_semaphore, #tpu.memory_space<semaphore_mem>>
      %dma_start3A_73 = arith.constant 0 : i32
      %dma_start3A_74 = tpu.memref_slice %arg10[%add3A_56, %dma_start3A_73] : memref<1024x40000xf32, #tpu.memory_space<hbm>> -> memref<1x40000xf32, #tpu.memory_space<hbm>>
      %dma_start3A_75 = tpu.memref_squeeze %dma_start3A_74 : memref<1x40000xf32, #tpu.memory_space<hbm>> -> memref<40000xf32, #tpu.memory_space<hbm>>
      %dma_start3A_76 = arith.constant 0 : i32
      %dma_start3A_77 = tpu.memref_slice %arg19[%dma_start3A, %dma_start3A_76] : memref<2x40000xf32, #tpu.memory_space<vmem>> -> memref<1x40000xf32, #tpu.memory_space<vmem>>
      %dma_start3A_78 = tpu.memref_squeeze %dma_start3A_77 : memref<1x40000xf32, #tpu.memory_space<vmem>> -> memref<40000xf32, #tpu.memory_space<vmem>>
      tpu.enqueue_dma source(%dma_start3A_78 : memref<40000xf32, #tpu.memory_space<vmem>>) target(%dma_start3A_75 : memref<40000xf32, #tpu.memory_space<hbm>>) target_semaphore(%dma_start3A_72 : memref<!tpu.dma_semaphore, #tpu.memory_space<semaphore_mem>>)
      %add3A_79 = arith.addi %mul3A_2, %add3A_53 : i32
      %add3A_80 = arith.constant 1 : i32
      %add3A_81 = arith.addi %add3A_79, %add3A_80 : i32
      %ge3A_82 = arith.constant 2 : i32
      %ge3A_83 = arith.cmpi sge, %add3A_53, %ge3A_82 : i32
      %convert_element_type3A_84 = arith.extui %ge3A_83 : i1 to i32
      %cond3A_85 = arith.constant 0 : i32
      %cond3A_86 = arith.cmpi ne, %convert_element_type3A_84, %cond3A_85 : i32
      scf.if %cond3A_86 {
        %dma_wait3A_108 = arith.constant 1 : i32
        %dma_wait3A_109 = arith.constant 1 : i32
        %dma_wait3A_110 = arith.constant 0 : i32
        %dma_wait3A_111 = tpu.memref_slice %arg19[%dma_wait3A_108, %dma_wait3A_110] : memref<2x40000xf32, #tpu.memory_space<vmem>> -> memref<1x40000xf32, #tpu.memory_space<vmem>>
        %dma_wait3A_112 = tpu.memref_squeeze %dma_wait3A_111 : memref<1x40000xf32, #tpu.memory_space<vmem>> -> memref<40000xf32, #tpu.memory_space<vmem>>
        %dma_wait3A_113 = arith.constant 0 : i32
        %dma_wait3A_114 = tpu.memref_slice %arg10[%add3A_81, %dma_wait3A_113] : memref<1024x40000xf32, #tpu.memory_space<hbm>> -> memref<1x40000xf32, #tpu.memory_space<hbm>>
        %dma_wait3A_115 = tpu.memref_squeeze %dma_wait3A_114 : memref<1x40000xf32, #tpu.memory_space<hbm>> -> memref<40000xf32, #tpu.memory_space<hbm>>
        %dma_wait3A_116 = tpu.memref_slice %arg20[%dma_wait3A_109] : memref<2x!tpu.dma_semaphore, #tpu.memory_space<semaphore_mem>> -> memref<1x!tpu.dma_semaphore, #tpu.memory_space<semaphore_mem>>
        %dma_wait3A_117 = tpu.memref_squeeze %dma_wait3A_116 : memref<1x!tpu.dma_semaphore, #tpu.memory_space<semaphore_mem>> -> memref<!tpu.dma_semaphore, #tpu.memory_space<semaphore_mem>>
        %dma_wait3A_118 = arith.constant 0 : i32
        %dma_wait3A_119 = tpu.memref_slice %arg10[%add3A_81, %dma_wait3A_118] : memref<1024x40000xf32, #tpu.memory_space<hbm>> -> memref<1x40000xf32, #tpu.memory_space<hbm>>
        %dma_wait3A_120 = tpu.memref_squeeze %dma_wait3A_119 : memref<1x40000xf32, #tpu.memory_space<hbm>> -> memref<40000xf32, #tpu.memory_space<hbm>>
        %dma_wait3A_121 = arith.constant 0 : i32
        %dma_wait3A_122 = tpu.memref_slice %arg19[%dma_wait3A_108, %dma_wait3A_121] : memref<2x40000xf32, #tpu.memory_space<vmem>> -> memref<1x40000xf32, #tpu.memory_space<vmem>>
        %dma_wait3A_123 = tpu.memref_squeeze %dma_wait3A_122 : memref<1x40000xf32, #tpu.memory_space<vmem>> -> memref<40000xf32, #tpu.memory_space<vmem>>
        tpu.wait_dma2 semaphore(%dma_wait3A_117 : memref<!tpu.dma_semaphore, #tpu.memory_space<semaphore_mem>>) src(%dma_wait3A_123 : memref<40000xf32, #tpu.memory_space<vmem>>) dst(%dma_wait3A_120 : memref<40000xf32, #tpu.memory_space<hbm>>)
      } else {
      }
      "tpu.region"() ({
        %run_scoped3A = tpu.sem_alloc : memref<!tpu.dma_semaphore, #tpu.memory_space<semaphore_mem>>
        %dma_start3A_108 = arith.constant 0 : i32
        %dma_start3A_109 = tpu.memref_slice %arg2[%add3A_81, %dma_start3A_108] : memref<1024x256xi32, #tpu.memory_space<hbm>> -> memref<1x256xi32, #tpu.memory_space<hbm>>
        %dma_start3A_110 = tpu.memref_squeeze %dma_start3A_109 : memref<1x256xi32, #tpu.memory_space<hbm>> -> memref<256xi32, #tpu.memory_space<hbm>>
        %dma_start3A_111 = arith.constant 0 : i32
        %dma_start3A_112 = tpu.memref_slice %arg2[%add3A_81, %dma_start3A_111] : memref<1024x256xi32, #tpu.memory_space<hbm>> -> memref<1x256xi32, #tpu.memory_space<hbm>>
        %dma_start3A_113 = tpu.memref_squeeze %dma_start3A_112 : memref<1x256xi32, #tpu.memory_space<hbm>> -> memref<256xi32, #tpu.memory_space<hbm>>
        tpu.enqueue_dma source(%dma_start3A_113 : memref<256xi32, #tpu.memory_space<hbm>>) target(%arg11 : memref<256xi32, #tpu.memory_space<vmem>>) target_semaphore(%run_scoped3A : memref<!tpu.dma_semaphore, #tpu.memory_space<semaphore_mem>>)
        %dma_wait3A_114 = arith.constant 0 : i32
        %dma_wait3A_115 = tpu.memref_slice %arg2[%add3A_81, %dma_wait3A_114] : memref<1024x256xi32, #tpu.memory_space<hbm>> -> memref<1x256xi32, #tpu.memory_space<hbm>>
        %dma_wait3A_116 = tpu.memref_squeeze %dma_wait3A_115 : memref<1x256xi32, #tpu.memory_space<hbm>> -> memref<256xi32, #tpu.memory_space<hbm>>
        %dma_wait3A_117 = arith.constant 0 : i32
        %dma_wait3A_118 = tpu.memref_slice %arg2[%add3A_81, %dma_wait3A_117] : memref<1024x256xi32, #tpu.memory_space<hbm>> -> memref<1x256xi32, #tpu.memory_space<hbm>>
        %dma_wait3A_119 = tpu.memref_squeeze %dma_wait3A_118 : memref<1x256xi32, #tpu.memory_space<hbm>> -> memref<256xi32, #tpu.memory_space<hbm>>
        tpu.wait_dma2 semaphore(%run_scoped3A : memref<!tpu.dma_semaphore, #tpu.memory_space<semaphore_mem>>) src(%dma_wait3A_119 : memref<256xi32, #tpu.memory_space<hbm>>) dst(%arg11 : memref<256xi32, #tpu.memory_space<vmem>>)
        tpu.yield
      }) : () -> ()
      "tpu.region"() ({
        %run_scoped3A = tpu.sem_alloc : memref<!tpu.dma_semaphore, #tpu.memory_space<semaphore_mem>>
        %dma_start3A_108 = arith.constant 0 : i32
        %dma_start3A_109 = tpu.memref_slice %arg3[%add3A_81, %dma_start3A_108] : memref<1024x256xi32, #tpu.memory_space<hbm>> -> memref<1x256xi32, #tpu.memory_space<hbm>>
        %dma_start3A_110 = tpu.memref_squeeze %dma_start3A_109 : memref<1x256xi32, #tpu.memory_space<hbm>> -> memref<256xi32, #tpu.memory_space<hbm>>
        %dma_start3A_111 = arith.constant 0 : i32
        %dma_start3A_112 = tpu.memref_slice %arg3[%add3A_81, %dma_start3A_111] : memref<1024x256xi32, #tpu.memory_space<hbm>> -> memref<1x256xi32, #tpu.memory_space<hbm>>
        %dma_start3A_113 = tpu.memref_squeeze %dma_start3A_112 : memref<1x256xi32, #tpu.memory_space<hbm>> -> memref<256xi32, #tpu.memory_space<hbm>>
        tpu.enqueue_dma source(%dma_start3A_113 : memref<256xi32, #tpu.memory_space<hbm>>) target(%arg12 : memref<256xi32, #tpu.memory_space<vmem>>) target_semaphore(%run_scoped3A : memref<!tpu.dma_semaphore, #tpu.memory_space<semaphore_mem>>)
        %dma_wait3A_114 = arith.constant 0 : i32
        %dma_wait3A_115 = tpu.memref_slice %arg3[%add3A_81, %dma_wait3A_114] : memref<1024x256xi32, #tpu.memory_space<hbm>> -> memref<1x256xi32, #tpu.memory_space<hbm>>
        %dma_wait3A_116 = tpu.memref_squeeze %dma_wait3A_115 : memref<1x256xi32, #tpu.memory_space<hbm>> -> memref<256xi32, #tpu.memory_space<hbm>>
        %dma_wait3A_117 = arith.constant 0 : i32
        %dma_wait3A_118 = tpu.memref_slice %arg3[%add3A_81, %dma_wait3A_117] : memref<1024x256xi32, #tpu.memory_space<hbm>> -> memref<1x256xi32, #tpu.memory_space<hbm>>
        %dma_wait3A_119 = tpu.memref_squeeze %dma_wait3A_118 : memref<1x256xi32, #tpu.memory_space<hbm>> -> memref<256xi32, #tpu.memory_space<hbm>>
        tpu.wait_dma2 semaphore(%run_scoped3A : memref<!tpu.dma_semaphore, #tpu.memory_space<semaphore_mem>>) src(%dma_wait3A_119 : memref<256xi32, #tpu.memory_space<hbm>>) dst(%arg12 : memref<256xi32, #tpu.memory_space<vmem>>)
        tpu.yield
      }) : () -> ()
      %scan3A_87 = arith.constant 0 : i32
      %scan3A_88 = arith.constant 25 : i32
      %scan3A_89 = arith.addi %scan3A_87, %scan3A_88 : i32
      %scan3A_90 = arith.constant 1 : i32
      scf.for %scan3A_108 = %scan3A_87 to %scan3A_89 step %scan3A_90  : i32 {
        %mul3A_109 = arith.constant 1 : i32
        %mul3A_110 = arith.muli %scan3A_108, %mul3A_109 : i32
        %add3A_111 = arith.constant 0 : i32
        %add3A_112 = arith.addi %add3A_111, %mul3A_110 : i32
        %mul3A_113 = arith.constant 16 : i32
        %mul3A_114 = arith.muli %mul3A_113, %add3A_112 : i32
        %get3A = arith.index_cast %mul3A_114 : i32 to index
        %get3A_115 = tpu.vector_load %arg18[%get3A] {strides = array<i32>} : memref<400xi32, #tpu.memory_space<vmem>>, vector<16xi32>,
        %mul3A_116 = arith.constant 16 : i32
        %mul3A_117 = arith.muli %mul3A_116, %add3A_112 : i32
        %get3A_118 = arith.index_cast %mul3A_117 : i32 to index
        %get3A_119 = tpu.vector_load %arg17[%get3A_118] {strides = array<i32>} : memref<400xi32, #tpu.memory_space<vmem>>, vector<16xi32>,
        %gather3A = tpu.vector_load_idx %arg11[%get3A_115] : memref<256xi32, #tpu.memory_space<vmem>>[vector<16xi32>], vector<16xi32>,
        %scan3A_120 = arith.constant 0 : i32
        %scan3A_121 = arith.constant 100 : i32
        %scan3A_122 = arith.addi %scan3A_120, %scan3A_121 : i32
        %scan3A_123 = arith.constant 1 : i32
        scf.for %scan3A_125 = %scan3A_120 to %scan3A_122 step %scan3A_123  : i32 {
          %mul3A_126 = arith.constant 1 : i32
          %mul3A_127 = arith.muli %scan3A_125, %mul3A_126 : i32
          %add3A_128 = arith.constant 0 : i32
          %add3A_129 = arith.addi %add3A_128, %mul3A_127 : i32
          %mul3A_130 = arith.constant 2 : i32
          %mul3A_131 = arith.muli %mul3A_130, %add3A_129 : i32
          %add3A_132 = vector.broadcast %mul3A_131 : i32 to vector<16xi32>
          %add3A_133 = arith.addi %get3A_119, %add3A_132 : vector<16xi32>
          %gather3A_134 = tpu.vector_load_idx %arg12[%add3A_133] : memref<256xi32, #tpu.memory_space<vmem>>[vector<16xi32>], vector<16xi32>,
          %sub3A_135 = arith.subi %gather3A_134, %gather3A : vector<16xi32>
          %max3A = arith.constant 1 : i32
          %max3A_136 = vector.broadcast %max3A : i32 to vector<16xi32>
          %max3A_137 = arith.maxsi %sub3A_135, %max3A_136 : vector<16xi32>
          %convert_element_type3A_138 = arith.sitofp %max3A_137 : vector<16xi32> to vector<16xf32>
          %bitcast3A = vector.bitcast %convert_element_type3A_138 : vector<16xf32> to vector<16xi32>
          %shift_right_arithmetic3A = arith.constant 16 : i32
          %shift_right_arithmetic3A_139 = vector.broadcast %shift_right_arithmetic3A : i32 to vector<16xi32>
          %shift_right_arithmetic3A_140 = arith.shrsi %bitcast3A, %shift_right_arithmetic3A_139 : vector<16xi32>
          %sub3A_141 = arith.constant 16256 : i32
          %sub3A_142 = vector.broadcast %sub3A_141 : i32 to vector<16xi32>
          %sub3A_143 = arith.subi %shift_right_arithmetic3A_140, %sub3A_142 : vector<16xi32>
          %gather3A_144 = tpu.vector_load_idx %arg15[%sub3A_143] : memref<2560xi32, #tpu.memory_space<vmem>>[vector<16xi32>], vector<16xi32>,
          %gather3A_145 = tpu.vector_load_idx %arg16[%sub3A_143] : memref<2560xi32, #tpu.memory_space<vmem>>[vector<16xi32>], vector<16xi32>,
          %ge3A_146 = arith.cmpi sge, %max3A_137, %gather3A_145 : vector<16xi32>
          %jit3A = arith.constant 1 : i32
          %jit3A_147 = arith.constant 0 : i32
          %broadcast_in_dim3A = vector.broadcast %jit3A : i32 to vector<16xi32>
          %broadcast_in_dim3A_148 = vector.broadcast %jit3A_147 : i32 to vector<16xi32>
          %select_n3A = arith.select %ge3A_146, %broadcast_in_dim3A, %broadcast_in_dim3A_148 : vector<16xi1>, vector<16xi32>
          %add3A_149 = arith.addi %gather3A_144, %select_n3A : vector<16xi32>
          %gather3A_150 = tpu.vector_load_idx %arg13[%add3A_149] : memref<136xf32, #tpu.memory_space<vmem>>[vector<16xi32>], vector<16xf32>,
          %mul3A_151 = arith.constant 400 : i32
          %mul3A_152 = arith.muli %mul3A_151, %add3A_129 : i32
          %mul3A_153 = arith.constant 16 : i32
          %mul3A_154 = arith.muli %mul3A_153, %add3A_112 : i32
          %add3A_155 = arith.addi %mul3A_152, %mul3A_154 : i32
          %get3A_156 = arith.index_cast %add3A_155 : i32 to index
          %get3A_157 = tpu.vector_load %arg14[%get3A_156] {strides = array<i32>} : memref<40000xf32, #tpu.memory_space<vmem>>, vector<16xf32>,
          %add3A_158 = arith.addf %gather3A_150, %get3A_157 : vector<16xf32>
          %swap3A = arith.constant 1 : i32
          %swap3A_159 = arith.index_cast %swap3A : i32 to index
          %swap3A_160 = arith.index_cast %add3A_155 : i32 to index
          %swap3A_161 = tpu.vector_load %arg19[%swap3A_159, %swap3A_160] {strides = array<i32>} : memref<2x40000xf32, #tpu.memory_space<vmem>>, vector<16xf32>,
          tpu.vector_store %arg19[%swap3A_159, %swap3A_160], %add3A_158 {strides = array<i32>} : memref<2x40000xf32, #tpu.memory_space<vmem>>, vector<16xf32>,
        }
        %scan3A_124 = arith.constant 100 : i32
      }
      %scan3A_91 = arith.constant 25 : i32
      %dma_start3A_92 = arith.constant 1 : i32
      %dma_start3A_93 = arith.constant 1 : i32
      %dma_start3A_94 = arith.constant 0 : i32
      %dma_start3A_95 = tpu.memref_slice %arg19[%dma_start3A_92, %dma_start3A_94] : memref<2x40000xf32, #tpu.memory_space<vmem>> -> memref<1x40000xf32, #tpu.memory_space<vmem>>
      %dma_start3A_96 = tpu.memref_squeeze %dma_start3A_95 : memref<1x40000xf32, #tpu.memory_space<vmem>> -> memref<40000xf32, #tpu.memory_space<vmem>>
      %dma_start3A_97 = arith.constant 0 : i32
      %dma_start3A_98 = tpu.memref_slice %arg10[%add3A_81, %dma_start3A_97] : memref<1024x40000xf32, #tpu.memory_space<hbm>> -> memref<1x40000xf32, #tpu.memory_space<hbm>>
      %dma_start3A_99 = tpu.memref_squeeze %dma_start3A_98 : memref<1x40000xf32, #tpu.memory_space<hbm>> -> memref<40000xf32, #tpu.memory_space<hbm>>
      %dma_start3A_100 = tpu.memref_slice %arg20[%dma_start3A_93] : memref<2x!tpu.dma_semaphore, #tpu.memory_space<semaphore_mem>> -> memref<1x!tpu.dma_semaphore, #tpu.memory_space<semaphore_mem>>
      %dma_start3A_101 = tpu.memref_squeeze %dma_start3A_100 : memref<1x!tpu.dma_semaphore, #tpu.memory_space<semaphore_mem>> -> memref<!tpu.dma_semaphore, #tpu.memory_space<semaphore_mem>>
      %dma_start3A_102 = arith.constant 0 : i32
      %dma_start3A_103 = tpu.memref_slice %arg10[%add3A_81, %dma_start3A_102] : memref<1024x40000xf32, #tpu.memory_space<hbm>> -> memref<1x40000xf32, #tpu.memory_space<hbm>>
      %dma_start3A_104 = tpu.memref_squeeze %dma_start3A_103 : memref<1x40000xf32, #tpu.memory_space<hbm>> -> memref<40000xf32, #tpu.memory_space<hbm>>
      %dma_start3A_105 = arith.constant 0 : i32
      %dma_start3A_106 = tpu.memref_slice %arg19[%dma_start3A_92, %dma_start3A_105] : memref<2x40000xf32, #tpu.memory_space<vmem>> -> memref<1x40000xf32, #tpu.memory_space<vmem>>
      %dma_start3A_107 = tpu.memref_squeeze %dma_start3A_106 : memref<1x40000xf32, #tpu.memory_space<vmem>> -> memref<40000xf32, #tpu.memory_space<vmem>>
      tpu.enqueue_dma source(%dma_start3A_107 : memref<40000xf32, #tpu.memory_space<vmem>>) target(%dma_start3A_104 : memref<40000xf32, #tpu.memory_space<hbm>>) target_semaphore(%dma_start3A_101 : memref<!tpu.dma_semaphore, #tpu.memory_space<semaphore_mem>>)
    }
    %scan3A_6 = arith.constant 16 : i32
    %add3A_7 = arith.constant 32 : i32
    %add3A_8 = arith.addi %mul3A_2, %add3A_7 : i32
    %sub3A = arith.constant 2 : i32
    %sub3A_9 = arith.subi %add3A_8, %sub3A : i32
    %add3A_10 = arith.constant 0 : i32
    %add3A_11 = arith.addi %sub3A_9, %add3A_10 : i32
    %dma_wait3A = arith.constant 0 : i32
    %dma_wait3A_12 = arith.constant 0 : i32
    %dma_wait3A_13 = arith.constant 0 : i32
    %dma_wait3A_14 = tpu.memref_slice %arg19[%dma_wait3A, %dma_wait3A_13] : memref<2x40000xf32, #tpu.memory_space<vmem>> -> memref<1x40000xf32, #tpu.memory_space<vmem>>
    %dma_wait3A_15 = tpu.memref_squeeze %dma_wait3A_14 : memref<1x40000xf32, #tpu.memory_space<vmem>> -> memref<40000xf32, #tpu.memory_space<vmem>>
    %dma_wait3A_16 = arith.constant 0 : i32
    %dma_wait3A_17 = tpu.memref_slice %arg10[%add3A_11, %dma_wait3A_16] : memref<1024x40000xf32, #tpu.memory_space<hbm>> -> memref<1x40000xf32, #tpu.memory_space<hbm>>
    %dma_wait3A_18 = tpu.memref_squeeze %dma_wait3A_17 : memref<1x40000xf32, #tpu.memory_space<hbm>> -> memref<40000xf32, #tpu.memory_space<hbm>>
    %dma_wait3A_19 = tpu.memref_slice %arg20[%dma_wait3A_12] : memref<2x!tpu.dma_semaphore, #tpu.memory_space<semaphore_mem>> -> memref<1x!tpu.dma_semaphore, #tpu.memory_space<semaphore_mem>>
    %dma_wait3A_20 = tpu.memref_squeeze %dma_wait3A_19 : memref<1x!tpu.dma_semaphore, #tpu.memory_space<semaphore_mem>> -> memref<!tpu.dma_semaphore, #tpu.memory_space<semaphore_mem>>
    %dma_wait3A_21 = arith.constant 0 : i32
    %dma_wait3A_22 = tpu.memref_slice %arg10[%add3A_11, %dma_wait3A_21] : memref<1024x40000xf32, #tpu.memory_space<hbm>> -> memref<1x40000xf32, #tpu.memory_space<hbm>>
    %dma_wait3A_23 = tpu.memref_squeeze %dma_wait3A_22 : memref<1x40000xf32, #tpu.memory_space<hbm>> -> memref<40000xf32, #tpu.memory_space<hbm>>
    %dma_wait3A_24 = arith.constant 0 : i32
    %dma_wait3A_25 = tpu.memref_slice %arg19[%dma_wait3A, %dma_wait3A_24] : memref<2x40000xf32, #tpu.memory_space<vmem>> -> memref<1x40000xf32, #tpu.memory_space<vmem>>
    %dma_wait3A_26 = tpu.memref_squeeze %dma_wait3A_25 : memref<1x40000xf32, #tpu.memory_space<vmem>> -> memref<40000xf32, #tpu.memory_space<vmem>>
    tpu.wait_dma2 semaphore(%dma_wait3A_20 : memref<!tpu.dma_semaphore, #tpu.memory_space<semaphore_mem>>) src(%dma_wait3A_26 : memref<40000xf32, #tpu.memory_space<vmem>>) dst(%dma_wait3A_23 : memref<40000xf32, #tpu.memory_space<hbm>>)
    %add3A_27 = arith.constant 32 : i32
    %add3A_28 = arith.addi %mul3A_2, %add3A_27 : i32
    %sub3A_29 = arith.constant 2 : i32
    %sub3A_30 = arith.subi %add3A_28, %sub3A_29 : i32
    %add3A_31 = arith.constant 1 : i32
    %add3A_32 = arith.addi %sub3A_30, %add3A_31 : i32
    %dma_wait3A_33 = arith.constant 1 : i32
    %dma_wait3A_34 = arith.constant 1 : i32
    %dma_wait3A_35 = arith.constant 0 : i32
    %dma_wait3A_36 = tpu.memref_slice %arg19[%dma_wait3A_33, %dma_wait3A_35] : memref<2x40000xf32, #tpu.memory_space<vmem>> -> memref<1x40000xf32, #tpu.memory_space<vmem>>
    %dma_wait3A_37 = tpu.memref_squeeze %dma_wait3A_36 : memref<1x40000xf32, #tpu.memory_space<vmem>> -> memref<40000xf32, #tpu.memory_space<vmem>>
    %dma_wait3A_38 = arith.constant 0 : i32
    %dma_wait3A_39 = tpu.memref_slice %arg10[%add3A_32, %dma_wait3A_38] : memref<1024x40000xf32, #tpu.memory_space<hbm>> -> memref<1x40000xf32, #tpu.memory_space<hbm>>
    %dma_wait3A_40 = tpu.memref_squeeze %dma_wait3A_39 : memref<1x40000xf32, #tpu.memory_space<hbm>> -> memref<40000xf32, #tpu.memory_space<hbm>>
    %dma_wait3A_41 = tpu.memref_slice %arg20[%dma_wait3A_34] : memref<2x!tpu.dma_semaphore, #tpu.memory_space<semaphore_mem>> -> memref<1x!tpu.dma_semaphore, #tpu.memory_space<semaphore_mem>>
    %dma_wait3A_42 = tpu.memref_squeeze %dma_wait3A_41 : memref<1x!tpu.dma_semaphore, #tpu.memory_space<semaphore_mem>> -> memref<!tpu.dma_semaphore, #tpu.memory_space<semaphore_mem>>
    %dma_wait3A_43 = arith.constant 0 : i32
    %dma_wait3A_44 = tpu.memref_slice %arg10[%add3A_32, %dma_wait3A_43] : memref<1024x40000xf32, #tpu.memory_space<hbm>> -> memref<1x40000xf32, #tpu.memory_space<hbm>>
    %dma_wait3A_45 = tpu.memref_squeeze %dma_wait3A_44 : memref<1x40000xf32, #tpu.memory_space<hbm>> -> memref<40000xf32, #tpu.memory_space<hbm>>
    %dma_wait3A_46 = arith.constant 0 : i32
    %dma_wait3A_47 = tpu.memref_slice %arg19[%dma_wait3A_33, %dma_wait3A_46] : memref<2x40000xf32, #tpu.memory_space<vmem>> -> memref<1x40000xf32, #tpu.memory_space<vmem>>
    %dma_wait3A_48 = tpu.memref_squeeze %dma_wait3A_47 : memref<1x40000xf32, #tpu.memory_space<vmem>> -> memref<40000xf32, #tpu.memory_space<vmem>>
    tpu.wait_dma2 semaphore(%dma_wait3A_42 : memref<!tpu.dma_semaphore, #tpu.memory_space<semaphore_mem>>) src(%dma_wait3A_48 : memref<40000xf32, #tpu.memory_space<vmem>>) dst(%dma_wait3A_45 : memref<40000xf32, #tpu.memory_space<hbm>>)
    return
  }
}

</mosaic_0001>

<sc_bundles>
// kernel: kernel.3.cloned.1.call-start
scs
__scs_entry_jumppad:
0x0: {  	(pc) =	sbr.rel $0x88, $3  }
0x1: {  	(tag) =	ssettag $0x0;
	lr =	simm.s32 $0x1  }
0x2: {  	[smem:$0x3F9E] =	sst lr;
	_ =	strace $0xD0000000  }
0x3: {  	_ = 	snop  }
0x4: {  	_ = 	snop  }
0x5: {  	_ = 	snop  }
0x6: {  	_ = 	snop  }
0x7: {  	_ = 	snop  }
__scs_overlays_trampoline_lowered:
0x8: {  	[smem:$0x3FAD] =	sst s0  }
0x9: {  	[smem:$0x3FAE] =	sst s1  }
0xa: {  	[smem:$0x3FAF] =	sst s2  }
0xb: {  	[smem:$0x3FB0] =	sst s3  }
0xc: {  	[smem:$0x3FB1] =	sst s4  }
0xd: {  	[smem:$0x3FB2] =	sst s5  }
0xe: {  	[smem:$0x3FB3] =	sst s6  }
0xf: {  	[smem:$0x3FB4] =	sst s7  }
0x10: {  	[smem:$0x3FB5] =	sst s8  }
0x11: {  	[smem:$0x3FB6] =	sst s9;
	s0 =	simm.s32 @!p0 $0x0  }
0x12: {  	s1 =	sld [smem:$0x3F9C];
	s0 =	simm.s32 @p0 $0x1  }
0x13: {  	[smem:$0x3FB7] =	sst s0;
	s0 =	simm.s32 @!p1 $0x0  }
0x14: {  	s2 =	sld [smem:$0x3F9B];
	s0 =	simm.s32 @p1 $0x1  }
0x15: {  	[smem:$0x3FB8] =	sst s0;
	s0 =	simm.s32 @!p2 $0x0  }
0x16: {  	s3 =	sld [smem:$0x3FDB];
	s0 =	simm.s32 @p2 $0x1  }
0x17: {  	s4 =	simm.s32 $0x1BF5;
	[smem:$0x3FBA] =	sst s0  }
0x18: {  	s0 =	sld [smem:$0x3F9D];
	_ =	swait.ge [sflag:s4], $0x0  }
0x19: {  	s7 =	sld [smem:$0x3F9E]  }
0x1a: {  	s8 =	sadd.s32 $0xFFFFE003, lr  }
0x1b: {  	s9 =	sadd.s32 $0xFFFFFEF7, lr;
	s5 =	simm.s32 $0xFFFFFFFF;
	p2 =	slt.u32 s8, $0xFFFFF086  }
0x1c: {  	p1 =	slt.u32 s9, $0xF7A;
	s5 =	simm.s32 @!p2 $0x0  }
0x1d: {  	s5 =	simm.s32 @p1 $0x1;
	p0 =	seq.s32 s7, s2  }
0x1e: {  	s7 =	smul.u32 @!p0 $0xF7A, s2;
	p2 =	seq.s32 @!p0 s5, $0x0  }
0x1f: {  	s9 =	smul.u32 $0xF7A, s1;
	s8 =	simm.s32 @!p0 $0x1BF5;
	p2 =	por !p2, p0  }
0x20: {  	[sflag:s8] =	ssyncset.s32 @!p0 $0xFFFFF086;
	s6 =	sadd.s32 @!p0 s3, s7;
	s7 =	simm.s32 @!p0 $0x108  }
0x21: {  	s3 =	sadd.s32 s3, s9;
	s6 =	sadd.s32 @!p0 $0x88, s6;
	s7 =	simm.s32 @p2 $0x1082  }
0x22: {  	[simem:s7], [sflag:s8] =	dma.local @!p0 [hbm:s6], $0xF7A  }
0x23: {  	s9 =	sor.u32 $0xD0000000, s2;
	s6 =	simm.s32 $0x108;
	_ =	swait.ge @!p0 [sflag:s8], $0x0  }
0x24: {  	s3 =	sadd.s32 $0x88, s3;
	s6 =	simm.s32 @!p1 $0x1082;
	[sflag:s4] =	ssyncset.s32 $0xFFFFF086  }
0x25: {  	[simem:s6], [sflag:s4] =	dma.local [hbm:s3], $0xF7A  }
0x26: {  	[smem:$0x3F9E] =	sst s1;
	(tag) =	ssettag s2;
	_ =	strace s9  }
0x27: {  	s1 =	sld [smem:$0x3FAE]  }
0x28: {  	s2 =	sld [smem:$0x3FAF]  }
0x29: {  	s4 =	sld [smem:$0x3FB1]  }
0x2a: {  	p0 =	seq.s32 s5, $0x0;
	s5 =	sld [smem:$0x3FB2]  }
0x2b: {  	s6 =	sld [smem:$0x3FB3]  }
0x2c: {  	s7 =	sld [smem:$0x3FB4]  }
0x2d: {  	s3 =	simm.s32 $0x108;
	s8 =	sld [smem:$0x3FB5]  }
0x2e: {  	s3 =	simm.s32 @!p0 $0x1082;
	s9 =	sld [smem:$0x3FB6]  }
0x2f: {  	lr =	sadd.s32 s0, s3;
	s0 =	sld [smem:$0x3FAD]  }
0x30: {  	s3 =	sld [smem:$0x3FB0]  }
0x31: {  	[smem:$0x3FB9] =	sst s10  }
0x32: {  	s10 =	sld [smem:$0x3FB7];
	_ =	sdelay $0x3  }
0x33: {  	p0 =	seq.s32 s10, $0x1;
	s10 =	sld [smem:$0x3FB9];
	_ =	sdelay $0x3  }
0x34: {  	[smem:$0x3FB9] =	sst s10  }
0x35: {  	s10 =	sld [smem:$0x3FB8];
	_ =	sdelay $0x3  }
0x36: {  	p1 =	seq.s32 s10, $0x1;
	s10 =	sld [smem:$0x3FB9];
	_ =	sdelay $0x3  }
0x37: {  	[smem:$0x3FB9] =	sst s10  }
0x38: {  	s10 =	sld [smem:$0x3FBA]  }
0x39: {  	_ = 	snop;
	(pc) =	sbr.ind lr, $3  }
0x3a: {  	_ = 	snop  }
0x3b: {  	_ = 	snop  }
0x3c: {  	p2 =	seq.s32 s10, $0x1;
	s10 =	sld [smem:$0x3FB9]  }
0x3d: {  	_ =	shalt  }
0x3e: {  	_ =	shalt  }
0x3f: {  	_ =	shalt  }
0x40: {  	_ =	shalt  }
0x41: {  	_ =	shalt  }
0x42: {  	_ =	shalt  }
0x43: {  	_ =	shalt  }
0x44: {  	_ =	shalt  }
0x45: {  	_ =	shalt  }
0x46: {  	_ =	shalt  }
0x47: {  	_ =	shalt  }
0x48: {  	_ =	shalt  }
0x49: {  	_ =	shalt  }
0x4a: {  	_ =	shalt  }
0x4b: {  	_ =	shalt  }
0x4c: {  	_ =	shalt  }
0x4d: {  	_ =	shalt  }
0x4e: {  	_ =	shalt  }
0x4f: {  	_ =	shalt  }
0x50: {  	_ =	shalt  }
0x51: {  	_ =	shalt  }
0x52: {  	_ =	shalt  }
0x53: {  	_ =	shalt  }
0x54: {  	_ =	shalt  }
0x55: {  	_ =	shalt  }
0x56: {  	_ =	shalt  }
0x57: {  	_ =	shalt  }
0x58: {  	_ =	shalt  }
0x59: {  	_ =	shalt  }
0x5a: {  	_ =	shalt  }
0x5b: {  	_ =	shalt  }
0x5c: {  	_ =	shalt  }
0x5d: {  	_ =	shalt  }
0x5e: {  	_ =	shalt  }
0x5f: {  	_ =	shalt  }
0x60: {  	_ =	shalt  }
0x61: {  	_ =	shalt  }
0x62: {  	_ =	shalt  }
0x63: {  	_ =	shalt  }
0x64: {  	_ =	shalt  }
0x65: {  	_ =	shalt  }
0x66: {  	_ =	shalt  }
0x67: {  	_ =	shalt  }
0x68: {  	_ =	shalt  }
0x69: {  	_ =	shalt  }
0x6a: {  	_ =	shalt  }
0x6b: {  	_ =	shalt  }
0x6c: {  	_ =	shalt  }
0x6d: {  	_ =	shalt  }
0x6e: {  	_ =	shalt  }
0x6f: {  	_ =	shalt  }
0x70: {  	_ =	shalt  }
0x71: {  	_ =	shalt  }
0x72: {  	_ =	shalt  }
0x73: {  	_ =	shalt  }
0x74: {  	_ =	shalt  }
0x75: {  	_ =	shalt  }
0x76: {  	_ =	shalt  }
0x77: {  	_ =	shalt  }
0x78: {  	_ =	shalt  }
0x79: {  	_ =	shalt  }
0x7a: {  	_ =	shalt  }
0x7b: {  	_ =	shalt  }
0x7c: {  	_ =	shalt  }
0x7d: {  	_ =	shalt  }
0x7e: {  	_ =	shalt  }
0x7f: {  	_ =	shalt  }
0x80: {  	_ =	shalt  }
0x81: {  	_ =	shalt  }
0x82: {  	_ =	shalt  }
0x83: {  	_ =	shalt  }
0x84: {  	_ =	shalt  }
0x85: {  	_ =	shalt  }
0x86: {  	_ =	shalt  }
0x87: {  	_ =	shalt  }
.Lfunc_end0:
.L_simem_size_0:
called_computation_lowered:
.L_overlay_start_0:
0x88: {  	s2 =	sld [smem:$0x3FD9]  }
0x89: {  	s3 =	sld [smem:$0x3FFE];
	_ =	sdelay $0x1  }
0x8a: {  	s1 =	srdreg.scid  }
0x8b: {  	s0 =	sand.u32 $0x1, s1  }
0x8c: {  	s17 =	sshll.u32 s0, $0xA;
	s2 =	sadd.s32 s3, s2  }
0x8d: {  	s2 =	sadd.s32 s2, s17  }
0x8e: {  	[smem:$0x3FC5] =	sst s2  }
0x8f: {  	_ = 	snop  }
0x90: {  	s2 =	sld [smem:$0x3FD0];
	(tm) =	ssettm $0x1  }
0x91: {  	s18 =	sld [smem:$0x3FFB];
	_ =	sdelay $0x3  }
0x92: {  	_ =	strace s18  }
0x93: {  	s3 =	sld [smem:$0x3FFC];
	_ =	sdelay $0x3  }
0x94: {  	_ =	strace s3  }
0x95: {  	s3 =	sld [smem:$0x3FFD];
	_ =	sdelay $0x3  }
0x96: {  	_ =	strace s3  }
0x97: {  	_ =	strace $0x8FFFFFFF  }
0x98: {  	s19 =	sld [smem:$0x3FDB];
	_ =	sdelay $0x1  }
0x99: {  	s4 =	simm.s32 $_scs_section_size  }
0x9a: {  	s5 =	simm.s32 $_size__tile_overlayer_lowered;
	s6 =	simm.s32 $_tile_overlayer_lowered  }
0x9b: {  	s22 =	simm.s32 $0x1BFF;
	s21 =	sshll.u32 s6, $0x1;
	s3 =	sadd.s32 s4, s19  }
0x9c: {  	s7 =	simm.s32 $0x0;
	s20 =	sshll.u32 s5, $0x1;
	s5 =	sadd.s32 s21, s3  }
0x9d: {  	[timem:s7], [sflag:s22] =	dma.local [hbm:s5], s20  }
0x9e: {  	_ =	swait.ge [sflag:s22], s20  }
0x9f: {  	s4 =	ssub.s32 $0x0, s20;
	[sflag:s22] =	ssyncset.done $0x0  }
0xa0: {  	[sflag:s22] =	ssyncadd.s32 s4;
	_ =	sdelay $0x1  }
0xa1: {  	s23 =	simm.s32 $0x1B8B  }
0xa2: {  	_ =	swait.ge [sflag:s23], $0x1  }
0xa3: {  	[sflag:s23] =	ssyncset.done $0x0  }
0xa4: {  	s25 =	simm.s32 $0x1B8E;
	s24 =	sld [smem:$0x3FFE];
	[sflag:s23] =	ssyncadd.s32 $0xFFFFFFFF  }
0xa5: {  	s26 =	simm.s32 $execute0_lowered;
	[smem:$0x3FD2] =	sst s25  }
0xa6: {  	s5 =	sshll.u32 s26, $0x1;
	_ =	strace $0x80000046;
	[dreg:$0x1] =	wrdreg $0xFFFFFFFF  }
0xa7: {  	s28 =	simm.s32 $_size_execute0_lowered;
	s3 =	sadd.s32 s3, s5;
	[dreg:$0x0] =	wrdreg $0x0  }
0xa8: {  	s5 =	sshll.u32 s28, $0x1;
	[dreg:$0x2] =	wrdreg s3  }
0xa9: {  	[dreg:$0x3] =	wrdreg s5  }
0xaa: {  	[dreg:$0x4] =	wrdreg $0xC0  }
0xab: {  	_ =	task [dreg:s7], $0x5FFFF  }
0xac: {  	[dreg:$0x1] =	wrdreg $0xFFFFFFFF  }
0xad: {  	[dreg:$0x0] =	wrdreg $0x60  }
0xae: {  	[dreg:$0x2] =	wrdreg s2  }
0xaf: {  	[dreg:$0x3] =	wrdreg s24  }
0xb0: {  	[dreg:$0x4] =	wrdreg $0x9  }
0xb1: {  	_ =	task.clear_ibuf [dreg:s7], $0x5FFFF;
	_ =	strace $0x90000046  }
0xb2: {  	s29 =	simm.s32 $0x9;
	_ =	strace $0x80000048  }
0xb3: {  	_ =	swait.ge [sflag:s29], $0x1  }
0xb4: {  	[sflag:s29] =	ssyncadd.s32 $0xFFFFFFFF  }
0xb5: {  	_ =	strace $0x90000048  }
0xb6: {  	_ =	sfence  }
0xb7: {  	s30 =	sld [smem:$0x0];
	_ =	sdelay $0x2  }
0xb8: {  	s31 =	sshll.u32 s1, $0xD;
	s1 =	sshrl.u32 s1, $0x2  }
0xb9: {  	s3 =	sand.u32 $0x4000, s31;
	s1 =	sadd.s32 s1, s30  }
0xba: {  	s0 =	sor.u32 s3, s0;
	s1 =	sshll.u32 s1, $0x11  }
0xbb: {  	s0 =	sor.u32 s1, s0  }
0xbc: {  	s0 =	sadd.s32 $0x8F2B, s0  }
0xbd: {  	[sflag:s0] =	ssyncadd.remote.s32 $0x1  }
0xbe: {  	_ =	sfence.sel $0xFFFF  }
0xbf: {  	[dreg:$0x0] =	wrdreg $0xFFFFFFFF;
	(pc) =	sbr.abs _section_cstart, $3  }
0xc0: {  	[dreg:$0x1] =	wrdreg $0xFFFFFFFF  }
0xc1: {  	_ =	task.clear_ibuf [dreg:s7], $0x2FFFF;
	_ =	strace $0x9FFFFFFF  }
0xc2: {  	(tm) =	ssettm $0x7FFFFFFF  }
0xc3: {  	_ =	shalt  }
tec
execute0_lowered:
.L_overlay_start_1:
0x0: {  	(tag) =	ssettag $0x1  }
0x1: {  	s1 =	rddreg [dreg:$0x0]  }
0x2: {  	s0 =	rddreg [dreg:$0x1];
	s2 =	simm.s32 $0x0  }
0x3: {  	s24 =	srdreg.scid;
	s6 =	stileid.u32;
	s15 =	simm.s32 $0x3  }
0x4: {  	s16 =	simm.s32 $0x200;
	s17 =	simm.s32 $0x9F80;
	s18 =	simm.s32 $0xA980  }
0x5: {  	s21 =	simm.s32 $0x80;
	[smem:$0x7FF] =	sst s2;
	s4 =	sadd.s32 $0xA000, s0  }
0x6: {  	s23 =	sadd.s32 $0xC00, s0;
	_ =	strace $0x80000047;
	[dreg:$0x3] =	wrdreg s4  }
0x7: {  	s22 =	simm.s32 $0x400;
	s5 =	sadd.s32 $0xA800, s0;
	[dreg:$0x4] =	wrdreg s23  }
0x8: {  	s3 =	sadd.s32 $0x2000, s0;
	s25 =	sadd.s32 $0xA600, s0;
	[dreg:$0x5] =	wrdreg s5  }
0x9: {  	s26 =	sadd.s32 $0xA400, s0;
	s28 =	sadd.s32 $0xA200, s0;
	[dreg:$0x6] =	wrdreg s25  }
0xa: {  	s11 =	sadd.s32 $0xAA00, s0;
	s4 =	sand.u32 $0x1, s24;
	[dreg:$0x7] =	wrdreg s26  }
0xb: {  	s31 =	sshll.u32 s6, $0x6;
	[dreg:$0x8] =	wrdreg s28;
	s29 =	ssub.s32 $0x2, s4  }
0xc: {  	s23 =	simm.s32 $0x100;
	s24 =	simm.s32 $0x1;
	s30 =	sshrl.u32 s29, $0x1  }
0xd: {  	s25 =	simm.s32 $0x2;
	s4 =	sshll.u32 s4, $0x5;
	s0 =	ssub.s32 s29, s30  }
0xe: {  	v0 =	vimm.s32 $0x0;
	s26 =	simm.s32 $0x0;
	s12 =	sor.u32 s4, s31;
	s13 =	smax.u32 s0, $0x1  }
.LBB2_1:
0xf: {  	s0 =	rddreg [dreg:$0x4];
	s4 =	simm.s32 $0x300  }
0x10: {  	[tilespmem:s4], [sflag:$0x3] =	stream.linear.gather [hbm4b:s0+s2], $0x9C80, $0x38;
	[tilespmem:$0x1F080] =	vst v63  }
0x11: {  	_ =	swait.ge [sflag:s15], $0x9C80  }
0x12: {  	[sflag:s15] =	ssyncset.done $0x0  }
0x13: {  	s10 =	rddreg [dreg:$0x3];
	[sflag:s15] =	ssyncadd.s32 $0xFFFF6380  }
0x14: {  	[tilespmem:s16], [sflag:$0x3] =	stream.linear.gather [hbm4b:s10+s2], $0x100, $0x38;
	[tilespmem:$0x1F080] =	vst v63  }
0x15: {  	_ =	swait.ge [sflag:s15], $0x100  }
0x16: {  	[sflag:s15] =	ssyncset.done $0x0  }
0x17: {  	s14 =	rddreg [dreg:$0x5];
	[sflag:s15] =	ssyncadd.s32 $0xFFFFFF00  }
0x18: {  	[tilespmem:s17], [sflag:$0x3] =	stream.linear.gather [hbm4b:s14+s2], $0xA00, $0x38;
	[tilespmem:$0x1F080] =	vst v63  }
0x19: {  	_ =	swait.ge [sflag:s15], $0xA00  }
0x1a: {  	[sflag:s15] =	ssyncset.done $0x0  }
0x1b: {  	s19 =	rddreg [dreg:$0x6];
	[sflag:s15] =	ssyncadd.s32 $0xFFFFF600  }
0x1c: {  	[tilespmem:s18], [sflag:$0x3] =	stream.linear.gather [hbm4b:s19+s2], $0xA00, $0x38;
	[tilespmem:$0x1F080] =	vst v63  }
0x1d: {  	_ =	swait.ge [sflag:s15], $0xA00  }
0x1e: {  	[sflag:s15] =	ssyncset.done $0x0  }
0x1f: {  	s29 =	simm.s32 $0xB380;
	s20 =	rddreg [dreg:$0x7];
	[sflag:s15] =	ssyncadd.s32 $0xFFFFF600  }
0x20: {  	[tilespmem:s29], [sflag:$0x3] =	stream.linear.gather [hbm4b:s20+s2], $0x200, $0x38;
	[tilespmem:$0x1F080] =	vst v63  }
0x21: {  	_ =	swait.ge [sflag:s15], $0x200  }
0x22: {  	[sflag:s15] =	ssyncset.done $0x0  }
0x23: {  	s31 =	simm.s32 $0xB580;
	s30 =	rddreg [dreg:$0x8];
	[sflag:s15] =	ssyncadd.s32 $0xFFFFFE00  }
0x24: {  	[tilespmem:s31], [sflag:$0x3] =	stream.linear.gather [hbm4b:s30+s2], $0x200, $0x38;
	[tilespmem:$0x1F080] =	vst v63  }
0x25: {  	_ =	swait.ge [sflag:s15], $0x200  }
0x26: {  	[sflag:s15] =	ssyncset.done $0x0  }
0x27: {  	s28 =	simm.s32 $0x0;
	[sflag:s15] =	ssyncadd.s32 $0xFFFFFE00  }
.LBB2_2:
0x28: {  	s0 =	sshll.u32 s28, $0x1  }
0x29: {  	s0 =	sadd.s32 s12, s0  }
0x2a: {  	p0 =	seq.s32 s28, $0x0;
	s14 =	sshll.u32 s28, $0x8;
	s31 =	sshrl.u32 s0, $0x3  }
0x2b: {  	s4 =	simm.s32 @!p0 $0x1;
	s30 =	sand.u32 $0x300, s14;
	s29 =	sshll.u32 s31, $0xB  }
0x2c: {  	_ =	swait.ge @!p0 [sflag:s4], $0x9C80;
	s0 =	sor.u32 s30, s29  }
0x2d: {  	[sflag:s4] =	ssyncset.done @!p0 $0x0;
	s5 =	sshrl.u32 s0, $0x3  }
0x2e: {  	[sflag:s4] =	ssyncadd.s32 @!p0 $0xFFFF6380;
	s0 =	simm.s32 $0x0;
	s19 =	sadd.s32 s1, s5  }
0x2f: {  	[tilespmem:s0], [sflag:$0x3] =	stream.strided.gather [hbm4b:s19+s21], $0x100, s22, s21, $0x38;
	[tilespmem:$0x1F080] =	vst v63  }
0x30: {  	_ =	swait.ge [sflag:s15], $0x100  }
0x31: {  	[sflag:s15] =	ssyncset.done $0x0  }
0x32: {  	s20 =	sadd.s32 s3, s5;
	[sflag:s15] =	ssyncadd.s32 $0xFFFFFF00  }
0x33: {  	[tilespmem:s23], [sflag:$0x3] =	stream.strided.gather [hbm4b:s20+s21], $0x100, s22, s21, $0x38;
	[tilespmem:$0x1F080] =	vst v63  }
0x34: {  	_ =	swait.ge [sflag:s15], $0x100  }
0x35: {  	s6 =	simm.s32 $0x0;
	s4 =	simm.s32 $0x0;
	[sflag:s15] =	ssyncset.done $0x0  }
0x36: {  	s5 =	simm.s32 $0x300;
	s20 =	simm.s32 $0x0;
	[sflag:s15] =	ssyncadd.s32 $0xFFFFFF00  }
.LBB2_3:
0x37: {  	s7 =	sshll.u32 s20, $0x4  }
0x38: {  	v2 =	vld [tilespmem:s7+$0xB580];
	_ =	sdelay $0x2  }
0x39: {  	v3 =	vld [tilespmem:s7+$0xB380];
	_ =	sdelay $0x3  }
0x3a: {  	s14 =	smov.u32 s4  }
0x3b: {  	s8 =	smov.u32 s5;
	s19 =	smov.u32 s6;
	s7 =	simm.s32 $0x0;
	v1 =	vadd.s32 $0x2, v3;
	v2 =	vld.idx.msk [tilespmem:v2+s0+$0x0], $0xffff  }
.LBB2_4:
0x3c: {  	_ =	sdelay $0x3  }
0x3d: {  	v3 =	vld.idx.msk [tilespmem:v3+s23+$0x0], $0xffff;
	_ =	sdelay $0x4  }
0x3e: {  	v3 =	vsub.s32 v3, v2  }
0x3f: {  	vm0 =	vgt.s32 v3, $0x1  }
0x40: {  	v3 =	vnsel vm0, $0x1, v3  }
0x41: {  	v4 =	vcvt.s32.f32 v3;
	_ =	sdelay $0x1  }
0x42: {  	v4 =	vshrl.u32 v4, $0x10  }
0x43: {  	v4 =	vadd.s32 $0xFFFFC080, v4;
	_ =	sdelay $0x4  }
0x44: {  	v5 =	vld.idx.msk [tilespmem:v4+s18+$0x0], $0xffff;
	_ =	sdelay $0x1  }
0x45: {  	v4 =	vld.idx.msk [tilespmem:v4+s17+$0x0], $0xffff;
	_ =	sdelay $0x2  }
0x46: {  	vm0 =	vge.s32 v3, v5  }
0x47: {  	v3 =	vsel vm0, $0x1, v0  }
0x48: {  	v3 =	vadd.s32 v3, v4;
	_ =	sdelay $0x3  }
0x49: {  	v4 =	vld [tilespmem:s8+$0x0]  }
0x4a: {  	v3 =	vld.idx.msk [tilespmem:v3+s16+$0x0], $0xffff;
	_ =	sdelay $0x1  }
0x4b: {  	p1 =	sne.s32 s7, $0xC6  }
.Ltmp0:
0x4c: {  	_ = 	snop;
	(pc) =	sbr.rel @p1 .LBB2_4-.Ltmp0, $4  }
0x4d: {  	_ = 	snop  }
0x4e: {  	s9 =	sand.u32 $0x70, s14;
	s10 =	sand.u32 $0x3FF00, s19;
	v4 =	vadd.f32 v4, v3  }
0x4f: {  	s19 =	sadd.s32 $0x320, s19;
	s9 =	sor.u32 s9, s10  }
0x50: {  	s14 =	sadd.s32 $0x190, s14;
	s8 =	sadd.s32 $0x190, s8;
	v3 =	vadd.s32 s7, v1;
	s7 =	sadd.s32 $0x2, s7;
	[tilespmem:s9+$0xB780] =	vst v4  }
0x51: {  	s20 =	sadd.s32 $0x1, s20  }
0x52: {  	p1 =	sne.s32 s20, $0x19  }
.Ltmp1:
0x53: {  	_ = 	snop;
	(pc) =	sbr.rel @p1 .LBB2_3-.Ltmp1, $2  }
0x54: {  	_ =	sdelay $0x2  }
0x55: {  	s6 =	sadd.s32 $0x20, s6;
	s5 =	sadd.s32 $0x10, s5;
	s4 =	sadd.s32 $0x10, s4  }
0x56: {  	s31 =	smul.u32 $0x4E400, s31;
	_ =	sdelay $0x1  }
0x57: {  	s0 =	sor.u32 s30, s31  }
0x58: {  	s0 =	sshrl.u32 s0, $0x3  }
0x59: {  	s4 =	simm.s32 $0xB780;
	s0 =	sadd.s32 s11, s0  }
0x5a: {  	s5 =	simm.s32 $0x80;
	s6 =	simm.s32 $0xB880;
	s7 =	sadd.s32 $0x0, s0  }
.LBB2_7:
0x5b: {  	[hbm4b:s7+s2] =	stream.linear.scatter [tilespmem:s4], [sflag:$0x1], $0x80, $0x38;
	[tilespmem:$0x1F080] =	vst v63  }
0x5c: {  	s7 =	smov.u32 s5;
	s4 =	smov.u32 s6;
	p1 =	sne.s32 s5, $0x9C00  }
.Ltmp2:
0x5d: {  	s5 =	sadd.s32 $0x80, s5;
	(pc) =	sbr.rel @p1 .LBB2_7-.Ltmp2, $2  }
0x5e: {  	_ =	sdelay $0x2  }
0x5f: {  	s6 =	sadd.s32 $0x100, s6;
	s7 =	sadd.s32 s7, s0  }
0x60: {  	[hbm4b:s7+s2] =	stream.linear.scatter [tilespmem:s4], [sflag:$0x1], $0x80, $0x38;
	[tilespmem:$0x1F080] =	vst v63  }
0x61: {  	s0 =	simm.s32 @!p0 $0x2;
	s30 =	sor.u32 $0x80, s30  }
0x62: {  	_ =	swait.ge @!p0 [sflag:s0], $0x9C80;
	s29 =	sor.u32 s30, s29  }
0x63: {  	[sflag:s0] =	ssyncset.done @!p0 $0x0;
	s4 =	sshrl.u32 s29, $0x3  }
0x64: {  	[sflag:s0] =	ssyncadd.s32 @!p0 $0xFFFF6380;
	s5 =	sadd.s32 s1, s4;
	s0 =	simm.s32 $0x0  }
0x65: {  	[tilespmem:s0], [sflag:$0x3] =	stream.strided.gather [hbm4b:s5+s21], $0x100, s22, s21, $0x38;
	[tilespmem:$0x1F080] =	vst v63  }
0x66: {  	_ =	swait.ge [sflag:s15], $0x100  }
0x67: {  	[sflag:s15] =	ssyncset.done $0x0  }
0x68: {  	s4 =	sadd.s32 s3, s4;
	[sflag:s15] =	ssyncadd.s32 $0xFFFFFF00  }
0x69: {  	[tilespmem:s23], [sflag:$0x3] =	stream.strided.gather [hbm4b:s4+s21], $0x100, s22, s21, $0x38;
	[tilespmem:$0x1F080] =	vst v63  }
0x6a: {  	_ =	swait.ge [sflag:s15], $0x100  }
0x6b: {  	s8 =	simm.s32 $0x300;
	s14 =	simm.s32 $0x0;
	[sflag:s15] =	ssyncset.done $0x0  }
0x6c: {  	s19 =	simm.s32 $0x0;
	s20 =	simm.s32 $0x0;
	[sflag:s15] =	ssyncadd.s32 $0xFFFFFF00  }
.LBB2_9:
0x6d: {  	s4 =	sshll.u32 s20, $0x4  }
0x6e: {  	v2 =	vld [tilespmem:s4+$0xB580];
	_ =	sdelay $0x2  }
0x6f: {  	v3 =	vld [tilespmem:s4+$0xB380];
	_ =	sdelay $0x3  }
0x70: {  	s5 =	smov.u32 s8  }
0x71: {  	s6 =	smov.u32 s19;
	s7 =	simm.s32 $0x0;
	s4 =	smov.u32 s14;
	v1 =	vadd.s32 $0x2, v3;
	v2 =	vld.idx.msk [tilespmem:v2+s0+$0x0], $0xffff  }
.LBB2_10:
0x72: {  	_ =	sdelay $0x3  }
0x73: {  	v3 =	vld.idx.msk [tilespmem:v3+s23+$0x0], $0xffff;
	_ =	sdelay $0x4  }
0x74: {  	v3 =	vsub.s32 v3, v2  }
0x75: {  	vm0 =	vgt.s32 v3, $0x1  }
0x76: {  	v3 =	vnsel vm0, $0x1, v3  }
0x77: {  	v4 =	vcvt.s32.f32 v3;
	_ =	sdelay $0x1  }
0x78: {  	v4 =	vshrl.u32 v4, $0x10  }
0x79: {  	v4 =	vadd.s32 $0xFFFFC080, v4;
	_ =	sdelay $0x4  }
0x7a: {  	v5 =	vld.idx.msk [tilespmem:v4+s18+$0x0], $0xffff;
	_ =	sdelay $0x1  }
0x7b: {  	v4 =	vld.idx.msk [tilespmem:v4+s17+$0x0], $0xffff;
	_ =	sdelay $0x2  }
0x7c: {  	vm0 =	vge.s32 v3, v5  }
0x7d: {  	v3 =	vsel vm0, $0x1, v0  }
0x7e: {  	v3 =	vadd.s32 v3, v4;
	_ =	sdelay $0x3  }
0x7f: {  	v4 =	vld [tilespmem:s5+$0x0]  }
0x80: {  	v3 =	vld.idx.msk [tilespmem:v3+s16+$0x0], $0xffff;
	_ =	sdelay $0x1  }
0x81: {  	p0 =	sne.s32 s7, $0xC6  }
.Ltmp3:
0x82: {  	_ = 	snop;
	(pc) =	sbr.rel @p0 .LBB2_10-.Ltmp3, $4  }
0x83: {  	_ = 	snop  }
0x84: {  	s9 =	sand.u32 $0x70, s4;
	s10 =	sand.u32 $0x3FF00, s6;
	v4 =	vadd.f32 v4, v3  }
0x85: {  	s6 =	sadd.s32 $0x320, s6;
	s9 =	sor.u32 s9, s10  }
0x86: {  	s4 =	sadd.s32 $0x190, s4;
	s5 =	sadd.s32 $0x190, s5;
	v3 =	vadd.s32 s7, v1;
	s7 =	sadd.s32 $0x2, s7;
	[tilespmem:s9+$0xB800] =	vst v4  }
0x87: {  	s20 =	sadd.s32 $0x1, s20  }
0x88: {  	p0 =	sne.s32 s20, $0x19  }
.Ltmp4:
0x89: {  	_ = 	snop;
	(pc) =	sbr.rel @p0 .LBB2_9-.Ltmp4, $2  }
0x8a: {  	_ =	sdelay $0x2  }
0x8b: {  	s19 =	sadd.s32 $0x20, s19;
	s8 =	sadd.s32 $0x10, s8;
	s14 =	sadd.s32 $0x10, s14  }
0x8c: {  	s0 =	sor.u32 s30, s31  }
0x8d: {  	s0 =	sshrl.u32 s0, $0x3  }
0x8e: {  	s4 =	simm.s32 $0xB800;
	s0 =	sadd.s32 s11, s0  }
0x8f: {  	s5 =	simm.s32 $0x80;
	s6 =	simm.s32 $0xB900;
	s7 =	sadd.s32 $0x0, s0  }
.LBB2_13:
0x90: {  	[hbm4b:s7+s2] =	stream.linear.scatter [tilespmem:s4], [sflag:$0x2], $0x80, $0x38;
	[tilespmem:$0x1F080] =	vst v63  }
0x91: {  	s7 =	smov.u32 s5;
	s4 =	smov.u32 s6;
	p0 =	sne.s32 s5, $0x9C00  }
.Ltmp5:
0x92: {  	s5 =	sadd.s32 $0x80, s5;
	(pc) =	sbr.rel @p0 .LBB2_13-.Ltmp5, $2  }
0x93: {  	_ =	sdelay $0x2  }
0x94: {  	s6 =	sadd.s32 $0x100, s6;
	s7 =	sadd.s32 s7, s0  }
0x95: {  	s28 =	sadd.s32 $0x1, s28  }
0x96: {  	p0 =	sne.s32 s28, $0x10  }
.Ltmp6:
0x97: {  	_ = 	snop;
	(pc) =	sbr.rel @p0 .LBB2_2-.Ltmp6, $2  }
0x98: {  	_ =	sdelay $0x2  }
0x99: {  	[hbm4b:s7+s2] =	stream.linear.scatter [tilespmem:s4], [sflag:$0x2], $0x80, $0x38;
	[tilespmem:$0x1F080] =	vst v63  }
0x9a: {  	s26 =	sadd.s32 $0x1, s26  }
0x9b: {  	_ =	swait.ge [sflag:s24], $0x9C80;
	p0 =	sne.s32 s26, s13  }
.Ltmp7:
0x9c: {  	[sflag:s24] =	ssyncset.done $0x0;
	(pc) =	sbr.rel @p0 .LBB2_1-.Ltmp7, $4  }
0x9d: {  	[sflag:s24] =	ssyncadd.s32 $0xFFFF6380  }
0x9e: {  	_ =	swait.ge [sflag:s25], $0x9C80  }
0x9f: {  	[sflag:s25] =	ssyncset.done $0x0  }
0xa0: {  	[sflag:s25] =	ssyncadd.s32 $0xFFFF6380  }
0xa1: {  	_ =	sfence.sel $0x180000  }
0xa2: {  	[bflag:$0x0] =	sbarrier.arrive $0xFFFF  }
0xa3: {  	_ =	strace $0x90000047  }
0xa4: {  	s0 =	stileid.u32;
	[bflag:$0x2] =	sbarrier.arrive $0xFFFF  }
0xa5: {  	p0 =	sne.s32 s0, $0x0;
	s0 =	rddreg [dreg:$0x2]  }
0xa6: {  	s0 =	sadd.s32 @!p0 $0x100000, s0  }
0xa7: {  	[sflag:s0] =	ssyncadd.tile.s32 @!p0 $0x1;
	_ =	shalt  }
.Lfunc_end2:
_tile_overlayer_lowered:
.L_overlay_start_2:
0xa8: {  	(tag) =	ssettag $0x2  }
0xa9: {  	s0 =	rddreg [dreg:$0x0];
	s2 =	stileid.u32  }
0xaa: {  	s1 =	rddreg [dreg:$0x1];
	p0 =	sne.s32 s2, $0x0  }
0xab: {  	s3 =	rddreg [dreg:$0x2];
	[bflag:$0x3] =	sbarrier.arrive $0xFFFF;
	s2 =	simm.s32 @!p0 $0x1C03  }
0xac: {  	[timem:s3], [sflag:s2] =	dma.local @!p0 [hbm:s0], s1  }
0xad: {  	s0 =	simm.s32 @!p0 $0x3  }
0xae: {  	_ =	swait.ge @!p0 [sflag:s0], s1  }
0xaf: {  	s1 =	ssub.s32 @!p0 $0x0, s1;
	[sflag:s0] =	ssyncset.done @!p0 $0x0  }
0xb0: {  	[sflag:s0] =	ssyncadd.s32 @!p0 s1  }
0xb1: {  	[bflag:$0x3] =	sbarrier.arrive $0xFFFF  }
0xb2: {  	_ =	shalt  }

</sc_bundles>
